<compile_context>
chip_gen: v7x
topology: tpu7x:2x2x1
jax: 0.10.2.dev20260603
libtpu: 0.0.44.dev20260713+nightly
codegen_flags: <defaults>
</compile_context>

<pallas_src>
import functools
import math

import jax
import jax.numpy as jnp
from jax import lax
from jax.experimental import pallas as pl
from jax.experimental.pallas import tpu as pltpu
from jax.experimental.pallas import tpu_sc as plsc

E = 320000
N = 10000
H = 8
HD = 16
D = 128

BE = 2560
G = E // BE

NC = 2
NS = 16
CH = 128
NCHUNKS = E // CH
ROUNDS = (NCHUNKS + NS - 1) // NS
NP = 10240
ROWS_PER_TILE = NP // NS


def _prep_body(q_ref, k_ref, c_ref, v_ref, uvs_ref):
    prod = q_ref[...] * k_ref[...]
    drow = lax.broadcasted_iota(jnp.int32, (D, H), 0)
    hcol = lax.broadcasted_iota(jnp.int32, (D, H), 1)
    sel = (drow // HD == hcol).astype(jnp.float32)
    w = lax.dot(prod, sel, precision=lax.Precision.HIGHEST)
    u = jnp.exp(w * c_ref[...] * (1.0 / math.sqrt(HD)))
    ue = lax.dot(u, sel.T, precision=lax.Precision.HIGHEST)
    uvs_ref[0] = ue * v_ref[...]
    uvs_ref[1] = ue


def _prep(query, key, cutoff, value):
    return pl.pallas_call(
        _prep_body,
        grid=(G,),
        in_specs=[
            pl.BlockSpec((BE, D), lambda i: (i, 0)),
            pl.BlockSpec((BE, D), lambda i: (i, 0)),
            pl.BlockSpec((BE, 1), lambda i: (i, 0)),
            pl.BlockSpec((BE, D), lambda i: (i, 0)),
        ],
        out_specs=pl.BlockSpec((2, BE, D), lambda i: (0, i, 0)),
        out_shape=jax.ShapeDtypeStruct((2, E, D), jnp.float32),
    )(query, key, cutoff, value)


@functools.lru_cache(maxsize=1)
def _make_sc_segsum():
    mesh = plsc.VectorSubcoreMesh(core_axis_name="c", subcore_axis_name="s")

    @functools.partial(
        pl.kernel,
        out_type=jax.ShapeDtypeStruct((NC, NP, D), jnp.float32),
        mesh=mesh,
        scratch_types=[
            pltpu.VMEM((CH, D), jnp.float32),
            pltpu.VMEM((CH,), jnp.int32),
            pltpu.VMEM_SHARED((NP, D), jnp.float32),
        ],
    )
    def _sc_segsum(uvs_hbm, dst_hbm, zeros_hbm, part_hbm, row_v, idx_v, acc_sh):
        cid = lax.axis_index("c")
        sid = lax.axis_index("s")
        row0 = sid * ROWS_PER_TILE
        pltpu.sync_copy(zeros_hbm.at[pl.ds(row0, ROWS_PER_TILE), :],
                        acc_sh.at[pl.ds(row0, ROWS_PER_TILE), :])
        plsc.subcore_barrier()

        def body(t, carry):
            c = sid + t * NS

            @pl.when(c < NCHUNKS)
            def _():
                base = c * CH
                pltpu.sync_copy(uvs_hbm.at[cid, pl.ds(base, CH), :], row_v)
                pltpu.sync_copy(dst_hbm.at[pl.ds(base, CH)], idx_v)
                pltpu.sync_copy(row_v, acc_sh.at[idx_v], add=True)

            return carry

        lax.fori_loop(0, ROUNDS, body, 0)
        plsc.subcore_barrier()
        pltpu.sync_copy(acc_sh.at[pl.ds(row0, ROWS_PER_TILE), :],
                        part_hbm.at[cid, pl.ds(row0, ROWS_PER_TILE), :])

    return _sc_segsum


BN = 2000


def _norm_body(num_ref, den_ref, o_ref):
    den = den_ref[...]
    o_ref[...] = jnp.where(den > 0.0, num_ref[...] / den, 0.0)


def _normalize(num, den):
    return pl.pallas_call(
        _norm_body,
        grid=(N // BN,),
        in_specs=[
            pl.BlockSpec((BN, D), lambda i: (i, 0)),
            pl.BlockSpec((BN, D), lambda i: (i, 0)),
        ],
        out_specs=pl.BlockSpec((BN, D), lambda i: (i, 0)),
        out_shape=jax.ShapeDtypeStruct((N, D), jnp.float32),
    )(num, den)


def kernel(key, value, query, edge_weight_cutoff, edge_index):
    edge_dst = edge_index[1].astype(jnp.int32)
    uvs = _prep(query, key, edge_weight_cutoff.reshape(E, 1), value)
    part = _make_sc_segsum()(uvs, edge_dst, jnp.zeros((NP, D), jnp.float32))
    return _normalize(part[0], part[1])

# --- scband reference (transcript-rebuilt; emitter-appended) ---
"""Pipeline reference for scband-attention-aggregation-63806034149757 (READ-ONLY COPY).

The authoritative reference and input builder live on the scoring server;
editing this copy changes nothing except your own understanding.
"""

import math
import jax, jax.numpy as jnp
import numpy as np

NUM_HEADS = 8
N_NODES = 10000
N_EDGES = 320000
D_FEAT = 128
HEAD_DIM = D_FEAT // NUM_HEADS  # irreps '128x0e' split across 8 heads -> 16 per head


def setup_inputs(seed: int = 0) -> dict:
    key0 = jax.random.key(seed)
    k1, k2, k3, k4, k5 = jax.random.split(key0, 5)
    key = jax.random.normal(k1, (N_EDGES, D_FEAT), dtype=jnp.float32)
    value = jax.random.normal(k2, (N_EDGES, D_FEAT), dtype=jnp.float32)
    query = jax.random.normal(k3, (N_EDGES, D_FEAT), dtype=jnp.float32)
    edge_weight_cutoff = jax.random.uniform(k4, (N_EDGES,), dtype=jnp.float32)
    edge_index = jax.random.randint(k5, (2, N_EDGES), 0, N_NODES, dtype=jnp.int64)
    return {
        "key": key,
        "value": value,
        "query": query,
        "edge_weight_cutoff": edge_weight_cutoff,
        "edge_index": edge_index,
    }


def _edge_softmax(w, edge_dst, num_segments):
    # numerically-stable softmax over edges grouped by destination node
    seg_max = jax.ops.segment_max(w, edge_dst, num_segments=num_segments)
    seg_max = jnp.where(jnp.isfinite(seg_max), seg_max, 0.0)
    w = jnp.exp(w - seg_max[edge_dst])
    seg_sum = jax.ops.segment_sum(w, edge_dst, num_segments=num_segments)
    return w / seg_sum[edge_dst]


def reference(key, value, query, edge_weight_cutoff, edge_index):
    E = key.shape[0]
    # VectorToAttentionHeads: [E, H*d] -> [E, H, d]
    k = key.reshape(E, NUM_HEADS, HEAD_DIM)
    v = value.reshape(E, NUM_HEADS, HEAD_DIM)
    q = query.reshape(E, NUM_HEADS, HEAD_DIM)
    edge_dst = edge_index[1]
    # per-edge, per-head attention logits
    edge_weights = (q * k).sum(-1)  # [E, H]
    edge_weights = edge_weight_cutoff[:, None] * edge_weights
    edge_weights = edge_weights / math.sqrt(HEAD_DIM)
    # softmax over incoming edges of each dst node
    edge_weights = _edge_softmax(edge_weights, edge_dst, N_NODES)  # [E, H]
    edge_weights = edge_weights[:, :, None]  # [E, H, 1]
    # scatter-add weighted values to dst nodes
    f_out = jax.ops.segment_sum(edge_weights * v, edge_dst, num_segments=N_NODES)  # [N, H, d]
    # AttentionHeadsToVector: [N, H, d] -> [N, H*d]
    f_out = f_out.reshape(N_NODES, NUM_HEADS * HEAD_DIM)
    return f_out

if __name__ == "__main__":
    import jax
    _d = setup_inputs()
    print(jax.jit(kernel)(*tuple(_d.values())))

</pallas_src>

<mosaic_0001>
#map = affine_map<(d0, d1) -> (0, 0, 0)>
#map1 = affine_map<(d0, d1) -> (0)>
#map2 = affine_map<(d0, d1) -> (0, 0)>
module attributes {stable_mosaic.version = 14 : i64} {
  func.func @_sc_segsum(%arg0: i32, %arg1: i32, %arg2: memref<2x320000x128xf32, #tpu.memory_space<hbm>>, %arg3: memref<320000xi32, #tpu.memory_space<hbm>>, %arg4: memref<10240x128xf32, #tpu.memory_space<hbm>>, %arg5: memref<2x10240x128xf32, #tpu.memory_space<hbm>>, %arg6: memref<128x128xf32, #tpu.memory_space<vmem>>, %arg7: memref<128xi32, #tpu.memory_space<vmem>>, %arg8: memref<10240x128xf32, #tpu.memory_space<vmem_shared>>) attributes {dimension_semantics = [#tpu.dimension_semantics<core_parallel>, #tpu.dimension_semantics<subcore_parallel>], iteration_bounds = array<i64: 2, 16>, scalar_prefetch = 0 : i64, scratch_operands = 3 : i64, tpu.core_type = #tpu.core_type<sc_vector_subcore>, window_params = [{transform_indices = #map}, {transform_indices = #map1}, {transform_indices = #map2}, {transform_indices = #map}]} {
    %mul3A = arith.constant 640 : i32
    %mul3A_0 = arith.muli %arg1, %mul3A : i32
    "tpu.region"() ({
      %run_scoped3A = tpu.sem_alloc : memref<!tpu.dma_semaphore, #tpu.memory_space<semaphore_mem>>
      %dma_start3A = arith.constant 0 : i32
      %dma_start3A_7 = tpu.memref_slice %arg8[%mul3A_0, %dma_start3A] : memref<10240x128xf32, #tpu.memory_space<vmem_shared>> -> memref<640x128xf32, #tpu.memory_space<vmem_shared>>
      %dma_start3A_8 = arith.constant 0 : i32
      %dma_start3A_9 = tpu.memref_slice %arg4[%mul3A_0, %dma_start3A_8] : memref<10240x128xf32, #tpu.memory_space<hbm>> -> memref<640x128xf32, #tpu.memory_space<hbm>>
      tpu.enqueue_dma source(%dma_start3A_9 : memref<640x128xf32, #tpu.memory_space<hbm>>) target(%dma_start3A_7 : memref<640x128xf32, #tpu.memory_space<vmem_shared>>) target_semaphore(%run_scoped3A : memref<!tpu.dma_semaphore, #tpu.memory_space<semaphore_mem>>)
      %dma_wait3A = arith.constant 0 : i32
      %dma_wait3A_10 = tpu.memref_slice %arg8[%mul3A_0, %dma_wait3A] : memref<10240x128xf32, #tpu.memory_space<vmem_shared>> -> memref<640x128xf32, #tpu.memory_space<vmem_shared>>
      %dma_wait3A_11 = arith.constant 0 : i32
      %dma_wait3A_12 = tpu.memref_slice %arg4[%mul3A_0, %dma_wait3A_11] : memref<10240x128xf32, #tpu.memory_space<hbm>> -> memref<640x128xf32, #tpu.memory_space<hbm>>
      tpu.wait_dma2 semaphore(%run_scoped3A : memref<!tpu.dma_semaphore, #tpu.memory_space<semaphore_mem>>) src(%dma_wait3A_12 : memref<640x128xf32, #tpu.memory_space<hbm>>) dst(%dma_wait3A_10 : memref<640x128xf32, #tpu.memory_space<vmem_shared>>)
      tpu.yield
    }) : () -> ()
    %barrier3A = arith.constant 0 : index
    tpu.barrier barrier_id(%barrier3A)
    %scan3A = arith.constant 0 : i32
    %scan3A_1 = arith.constant 0 : i32
    %scan3A_2 = arith.constant 157 : i32
    %scan3A_3 = arith.addi %scan3A_1, %scan3A_2 : i32
    %scan3A_4 = arith.constant 1 : i32
    scf.for %scan3A_7 = %scan3A_1 to %scan3A_3 step %scan3A_4  : i32 {
      %mul3A_8 = arith.constant 16 : i32
      %mul3A_9 = arith.muli %scan3A_7, %mul3A_8 : i32
      %add3A = arith.addi %arg1, %mul3A_9 : i32
      %lt3A = arith.constant 2500 : i32
      %lt3A_10 = arith.cmpi slt, %add3A, %lt3A : i32
      %convert_element_type3A = arith.extui %lt3A_10 : i1 to i32
      %cond3A = arith.constant 0 : i32
      %cond3A_11 = arith.cmpi ne, %convert_element_type3A, %cond3A : i32
      scf.if %cond3A_11 {
        %mul3A_12 = arith.constant 128 : i32
        %mul3A_13 = arith.muli %add3A, %mul3A_12 : i32
        "tpu.region"() ({
          %run_scoped3A = tpu.sem_alloc : memref<!tpu.dma_semaphore, #tpu.memory_space<semaphore_mem>>
          %dma_start3A = arith.constant 0 : i32
          %dma_start3A_14 = tpu.memref_slice %arg2[%arg0, %mul3A_13, %dma_start3A] : memref<2x320000x128xf32, #tpu.memory_space<hbm>> -> memref<1x128x128xf32, #tpu.memory_space<hbm>>
          %dma_start3A_15 = tpu.memref_squeeze %dma_start3A_14 : memref<1x128x128xf32, #tpu.memory_space<hbm>> -> memref<128x128xf32, #tpu.memory_space<hbm>>
          %dma_start3A_16 = arith.constant 0 : i32
          %dma_start3A_17 = tpu.memref_slice %arg2[%arg0, %mul3A_13, %dma_start3A_16] : memref<2x320000x128xf32, #tpu.memory_space<hbm>> -> memref<1x128x128xf32, #tpu.memory_space<hbm>>
          %dma_start3A_18 = tpu.memref_squeeze %dma_start3A_17 : memref<1x128x128xf32, #tpu.memory_space<hbm>> -> memref<128x128xf32, #tpu.memory_space<hbm>>
          tpu.enqueue_dma source(%dma_start3A_18 : memref<128x128xf32, #tpu.memory_space<hbm>>) target(%arg6 : memref<128x128xf32, #tpu.memory_space<vmem>>) target_semaphore(%run_scoped3A : memref<!tpu.dma_semaphore, #tpu.memory_space<semaphore_mem>>)
          %dma_wait3A = arith.constant 0 : i32
          %dma_wait3A_19 = tpu.memref_slice %arg2[%arg0, %mul3A_13, %dma_wait3A] : memref<2x320000x128xf32, #tpu.memory_space<hbm>> -> memref<1x128x128xf32, #tpu.memory_space<hbm>>
          %dma_wait3A_20 = tpu.memref_squeeze %dma_wait3A_19 : memref<1x128x128xf32, #tpu.memory_space<hbm>> -> memref<128x128xf32, #tpu.memory_space<hbm>>
          %dma_wait3A_21 = arith.constant 0 : i32
          %dma_wait3A_22 = tpu.memref_slice %arg2[%arg0, %mul3A_13, %dma_wait3A_21] : memref<2x320000x128xf32, #tpu.memory_space<hbm>> -> memref<1x128x128xf32, #tpu.memory_space<hbm>>
          %dma_wait3A_23 = tpu.memref_squeeze %dma_wait3A_22 : memref<1x128x128xf32, #tpu.memory_space<hbm>> -> memref<128x128xf32, #tpu.memory_space<hbm>>
          tpu.wait_dma2 semaphore(%run_scoped3A : memref<!tpu.dma_semaphore, #tpu.memory_space<semaphore_mem>>) src(%dma_wait3A_23 : memref<128x128xf32, #tpu.memory_space<hbm>>) dst(%arg6 : memref<128x128xf32, #tpu.memory_space<vmem>>)
          tpu.yield
        }) : () -> ()
        "tpu.region"() ({
          %run_scoped3A = tpu.sem_alloc : memref<!tpu.dma_semaphore, #tpu.memory_space<semaphore_mem>>
          %dma_start3A = tpu.memref_slice %arg3[%mul3A_13] : memref<320000xi32, #tpu.memory_space<hbm>> -> memref<128xi32, #tpu.memory_space<hbm>>
          %dma_start3A_14 = tpu.memref_slice %arg3[%mul3A_13] : memref<320000xi32, #tpu.memory_space<hbm>> -> memref<128xi32, #tpu.memory_space<hbm>>
          tpu.enqueue_dma source(%dma_start3A_14 : memref<128xi32, #tpu.memory_space<hbm>>) target(%arg7 : memref<128xi32, #tpu.memory_space<vmem>>) target_semaphore(%run_scoped3A : memref<!tpu.dma_semaphore, #tpu.memory_space<semaphore_mem>>)
          %dma_wait3A = tpu.memref_slice %arg3[%mul3A_13] : memref<320000xi32, #tpu.memory_space<hbm>> -> memref<128xi32, #tpu.memory_space<hbm>>
          %dma_wait3A_15 = tpu.memref_slice %arg3[%mul3A_13] : memref<320000xi32, #tpu.memory_space<hbm>> -> memref<128xi32, #tpu.memory_space<hbm>>
          tpu.wait_dma2 semaphore(%run_scoped3A : memref<!tpu.dma_semaphore, #tpu.memory_space<semaphore_mem>>) src(%dma_wait3A_15 : memref<128xi32, #tpu.memory_space<hbm>>) dst(%arg7 : memref<128xi32, #tpu.memory_space<vmem>>)
          tpu.yield
        }) : () -> ()
        "tpu.region"() ({
          %run_scoped3A = tpu.sem_alloc : memref<!tpu.dma_semaphore, #tpu.memory_space<semaphore_mem>>
          %dma_start3A = arith.constant 0 : i32
          %dma_start3A_14 = arith.constant 0 : i32
          %dma_start3A_15 = tpu.memref_slice %arg8[%dma_start3A, %dma_start3A_14] : memref<10240x128xf32, #tpu.memory_space<vmem_shared>> -> memref<10240x128xf32, #tpu.memory_space<vmem_shared>>
          tpu.enqueue_indirect_dma source(%arg6 : memref<128x128xf32, #tpu.memory_space<vmem>>) target(%dma_start3A_15 : memref<10240x128xf32, #tpu.memory_space<vmem_shared>>) offsets(%arg7 : memref<128xi32, #tpu.memory_space<vmem>>) semaphore(%run_scoped3A : memref<!tpu.dma_semaphore, #tpu.memory_space<semaphore_mem>>) {add = true}
          %dma_wait3A = arith.constant 0 : i32
          %dma_wait3A_16 = arith.constant 0 : i32
          %dma_wait3A_17 = tpu.memref_slice %arg8[%dma_wait3A, %dma_wait3A_16] : memref<10240x128xf32, #tpu.memory_space<vmem_shared>> -> memref<10240x128xf32, #tpu.memory_space<vmem_shared>>
          tpu.wait_indirect_dma semaphore(%run_scoped3A : memref<!tpu.dma_semaphore, #tpu.memory_space<semaphore_mem>>) src(%arg6 : memref<128x128xf32, #tpu.memory_space<vmem>>) dst(%dma_wait3A_17 : memref<10240x128xf32, #tpu.memory_space<vmem_shared>>)
          tpu.yield
        }) : () -> ()
      } else {
      }
    }
    %scan3A_5 = arith.constant 157 : i32
    %barrier3A_6 = arith.constant 0 : index
    tpu.barrier barrier_id(%barrier3A_6)
    "tpu.region"() ({
      %run_scoped3A = tpu.sem_alloc : memref<!tpu.dma_semaphore, #tpu.memory_space<semaphore_mem>>
      %dma_start3A = arith.constant 0 : i32
      %dma_start3A_7 = tpu.memref_slice %arg5[%arg0, %mul3A_0, %dma_start3A] : memref<2x10240x128xf32, #tpu.memory_space<hbm>> -> memref<1x640x128xf32, #tpu.memory_space<hbm>>
      %dma_start3A_8 = tpu.memref_squeeze %dma_start3A_7 : memref<1x640x128xf32, #tpu.memory_space<hbm>> -> memref<640x128xf32, #tpu.memory_space<hbm>>
      %dma_start3A_9 = arith.constant 0 : i32
      %dma_start3A_10 = tpu.memref_slice %arg8[%mul3A_0, %dma_start3A_9] : memref<10240x128xf32, #tpu.memory_space<vmem_shared>> -> memref<640x128xf32, #tpu.memory_space<vmem_shared>>
      tpu.enqueue_dma source(%dma_start3A_10 : memref<640x128xf32, #tpu.memory_space<vmem_shared>>) target(%dma_start3A_8 : memref<640x128xf32, #tpu.memory_space<hbm>>) target_semaphore(%run_scoped3A : memref<!tpu.dma_semaphore, #tpu.memory_space<semaphore_mem>>)
      %dma_wait3A = arith.constant 0 : i32
      %dma_wait3A_11 = tpu.memref_slice %arg5[%arg0, %mul3A_0, %dma_wait3A] : memref<2x10240x128xf32, #tpu.memory_space<hbm>> -> memref<1x640x128xf32, #tpu.memory_space<hbm>>
      %dma_wait3A_12 = tpu.memref_squeeze %dma_wait3A_11 : memref<1x640x128xf32, #tpu.memory_space<hbm>> -> memref<640x128xf32, #tpu.memory_space<hbm>>
      %dma_wait3A_13 = arith.constant 0 : i32
      %dma_wait3A_14 = tpu.memref_slice %arg8[%mul3A_0, %dma_wait3A_13] : memref<10240x128xf32, #tpu.memory_space<vmem_shared>> -> memref<640x128xf32, #tpu.memory_space<vmem_shared>>
      tpu.wait_dma2 semaphore(%run_scoped3A : memref<!tpu.dma_semaphore, #tpu.memory_space<semaphore_mem>>) src(%dma_wait3A_14 : memref<640x128xf32, #tpu.memory_space<vmem_shared>>) dst(%dma_wait3A_12 : memref<640x128xf32, #tpu.memory_space<hbm>>)
      tpu.yield
    }) : () -> ()
    return
  }
}

module attributes {stable_mosaic.version = 14 : i64} {
  func.func @_prep_body(%arg0: i32, %arg1: memref<2560x128xf32, #tpu.memory_space<vmem>>, %arg2: memref<2560x128xf32, #tpu.memory_space<vmem>>, %arg3: memref<2560x1xf32, #tpu.memory_space<vmem>>, %arg4: memref<2560x128xf32, #tpu.memory_space<vmem>>, %arg5: memref<2x2560x128xf32, #tpu.memory_space<vmem>>) attributes {dimension_semantics = [#tpu.dimension_semantics<arbitrary>], iteration_bounds = array<i64: 125>, scalar_prefetch = 0 : i64, scratch_operands = 0 : i64, tpu.core_type = #tpu.core_type<tc>, window_params = [{transform_indices = @transform_0, window_bounds = array<i64: 2560, 128>}, {transform_indices = @transform_1, window_bounds = array<i64: 2560, 128>}, {transform_indices = @transform_2, window_bounds = array<i64: 2560, 1>}, {transform_indices = @transform_3, window_bounds = array<i64: 2560, 128>}, {transform_indices = @transform_4, window_bounds = array<i64: 2, 2560, 128>}]} {
    %get3A = arith.constant 0 : index
    %get3A_0 = arith.constant 0 : index
    %get3A_1 = vector.load %arg1[%get3A, %get3A_0] : memref<2560x128xf32, #tpu.memory_space<vmem>>, vector<2560x128xf32>
    %get3A_2 = arith.constant 0 : index
    %get3A_3 = arith.constant 0 : index
    %get3A_4 = vector.load %arg2[%get3A_2, %get3A_3] : memref<2560x128xf32, #tpu.memory_space<vmem>>, vector<2560x128xf32>
    %mul3A = arith.mulf %get3A_1, %get3A_4 : vector<2560x128xf32>
    %iota3A = tpu.iota {dimensions = array<i32: 0>} : vector<128x8xi32>
    %iota3A_5 = tpu.iota {dimensions = array<i32: 1>} : vector<128x8xi32>
    %jit3A = arith.constant 16 : i32
    %div3A = vector.broadcast %jit3A : i32 to vector<128x8xi32>
    %div3A_6 = arith.divsi %iota3A, %div3A : vector<128x8xi32>
    %sign3A = arith.constant 0 : i32
    %sign3A_7 = vector.broadcast %sign3A : i32 to vector<128x8xi32>
    %sign3A_8 = arith.cmpi sgt, %iota3A, %sign3A_7 : vector<128x8xi32>
    %sign3A_9 = arith.extui %sign3A_8 : vector<128x8xi1> to vector<128x8xi32>
    %sign3A_10 = arith.constant 0 : i32
    %sign3A_11 = vector.broadcast %sign3A_10 : i32 to vector<128x8xi32>
    %sign3A_12 = arith.cmpi slt, %iota3A, %sign3A_11 : vector<128x8xi32>
    %sign3A_13 = arith.extui %sign3A_12 : vector<128x8xi1> to vector<128x8xi32>
    %sign3A_14 = arith.subi %sign3A_9, %sign3A_13 : vector<128x8xi32>
    %sign3A_15 = arith.constant 0 : i32
    %sign3A_16 = arith.cmpi sgt, %jit3A, %sign3A_15 : i32
    %sign3A_17 = arith.extui %sign3A_16 : i1 to i32
    %sign3A_18 = arith.constant 0 : i32
    %sign3A_19 = arith.cmpi slt, %jit3A, %sign3A_18 : i32
    %sign3A_20 = arith.extui %sign3A_19 : i1 to i32
    %sign3A_21 = arith.subi %sign3A_17, %sign3A_20 : i32
    %ne3A = vector.broadcast %sign3A_21 : i32 to vector<128x8xi32>
    %ne3A_22 = arith.cmpi ne, %sign3A_14, %ne3A : vector<128x8xi32>
    %rem3A = vector.broadcast %jit3A : i32 to vector<128x8xi32>
    %rem3A_23 = arith.remsi %iota3A, %rem3A : vector<128x8xi32>
    %ne3A_24 = arith.constant 0 : i32
    %ne3A_25 = vector.broadcast %ne3A_24 : i32 to vector<128x8xi32>
    %ne3A_26 = arith.cmpi ne, %rem3A_23, %ne3A_25 : vector<128x8xi32>
    %and3A = arith.andi %ne3A_22, %ne3A_26 : vector<128x8xi1>
    %sub3A = arith.constant 1 : i32
    %sub3A_27 = vector.broadcast %sub3A : i32 to vector<128x8xi32>
    %sub3A_28 = arith.subi %div3A_6, %sub3A_27 : vector<128x8xi32>
    %select_n3A = arith.select %and3A, %sub3A_28, %div3A_6 : vector<128x8xi1>, vector<128x8xi32>
    %eq3A = arith.cmpi eq, %select_n3A, %iota3A_5 : vector<128x8xi32>
    %convert_element_type3A = arith.extui %eq3A : vector<128x8xi1> to vector<128x8xi32>
    %convert_element_type3A_29 = arith.sitofp %convert_element_type3A : vector<128x8xi32> to vector<128x8xf32>
    %dot_general3A = arith.constant dense<0.000000e+00> : vector<2560x8xf32>
    %dot_general3A_30 = tpu.matmul %mul3A, %convert_element_type3A_29, %dot_general3A {dimension_numbers = #tpu.dot_dimension_numbers<[1], [0], [0], [1], [0, 0, 1, 1], [], []>, precision = #tpu.contract_precision<fp32>, transpose_lhs_hint = false} : vector<2560x128xf32>, vector<128x8xf32>, vector<2560x8xf32> -> vector<2560x8xf32>
    %get3A_31 = arith.constant 0 : index
    %get3A_32 = arith.constant 0 : index
    %get3A_33 = vector.load %arg3[%get3A_31, %get3A_32] : memref<2560x1xf32, #tpu.memory_space<vmem>>, vector<2560x1xf32>
    %mul3A_34 = vector.broadcast %get3A_33 : vector<2560x1xf32> to vector<2560x8xf32>
    %mul3A_35 = arith.mulf %dot_general3A_30, %mul3A_34 : vector<2560x8xf32>
    %mul3A_36 = arith.constant 2.500000e-01 : f32
    %mul3A_37 = vector.broadcast %mul3A_36 : f32 to vector<2560x8xf32>
    %mul3A_38 = arith.mulf %mul3A_35, %mul3A_37 : vector<2560x8xf32>
    %exp3A = math.exp %mul3A_38 : vector<2560x8xf32>
    %transpose3A = tpu.transpose %convert_element_type3A_29, [1, 0] : vector<128x8xf32> -> vector<8x128xf32>
    %dot_general3A_39 = arith.constant dense<0.000000e+00> : vector<2560x128xf32>
    %dot_general3A_40 = tpu.matmul %exp3A, %transpose3A, %dot_general3A_39 {dimension_numbers = #tpu.dot_dimension_numbers<[1], [0], [0], [1], [0, 0, 1, 1], [], []>, precision = #tpu.contract_precision<fp32>, transpose_lhs_hint = false} : vector<2560x8xf32>, vector<8x128xf32>, vector<2560x128xf32> -> vector<2560x128xf32>
    %get3A_41 = arith.constant 0 : index
    %get3A_42 = arith.constant 0 : index
    %get3A_43 = vector.load %arg4[%get3A_41, %get3A_42] : memref<2560x128xf32, #tpu.memory_space<vmem>>, vector<2560x128xf32>
    %mul3A_44 = arith.mulf %dot_general3A_40, %get3A_43 : vector<2560x128xf32>
    %swap3A = arith.constant 0 : index
    %swap3A_45 = arith.constant 0 : index
    %swap3A_46 = arith.constant 0 : index
    %swap3A_47 = vector.load %arg5[%swap3A, %swap3A_45, %swap3A_46] : memref<2x2560x128xf32, #tpu.memory_space<vmem>>, vector<1x2560x128xf32>
    %swap3A_48 = vector.shape_cast %swap3A_47 : vector<1x2560x128xf32> to vector<2560x128xf32>
    %swap3A_49 = vector.shape_cast %mul3A_44 : vector<2560x128xf32> to vector<1x2560x128xf32>
    tpu.vector_store %arg5[%swap3A, %swap3A_45, %swap3A_46], %swap3A_49 {strides = array<i32>} : memref<2x2560x128xf32, #tpu.memory_space<vmem>>, vector<1x2560x128xf32>,
    %swap3A_50 = arith.constant 1 : index
    %swap3A_51 = arith.constant 0 : index
    %swap3A_52 = arith.constant 0 : index
    %swap3A_53 = vector.load %arg5[%swap3A_50, %swap3A_51, %swap3A_52] : memref<2x2560x128xf32, #tpu.memory_space<vmem>>, vector<1x2560x128xf32>
    %swap3A_54 = vector.shape_cast %swap3A_53 : vector<1x2560x128xf32> to vector<2560x128xf32>
    %swap3A_55 = vector.shape_cast %dot_general3A_40 : vector<2560x128xf32> to vector<1x2560x128xf32>
    tpu.vector_store %arg5[%swap3A_50, %swap3A_51, %swap3A_52], %swap3A_55 {strides = array<i32>} : memref<2x2560x128xf32, #tpu.memory_space<vmem>>, vector<1x2560x128xf32>,
    return
  }
  func.func @transform_0(%arg0: i32) -> (i32, i32) {
    %c0_i32 = arith.constant 0 : i32
    %c0_i32_0 = arith.constant 0 : i32
    return %arg0, %c0_i32 : i32, i32
  }
  func.func @transform_1(%arg0: i32) -> (i32, i32) {
    %c0_i32 = arith.constant 0 : i32
    %c0_i32_0 = arith.constant 0 : i32
    return %arg0, %c0_i32 : i32, i32
  }
  func.func @transform_2(%arg0: i32) -> (i32, i32) {
    %c0_i32 = arith.constant 0 : i32
    %c0_i32_0 = arith.constant 0 : i32
    return %arg0, %c0_i32 : i32, i32
  }
  func.func @transform_3(%arg0: i32) -> (i32, i32) {
    %c0_i32 = arith.constant 0 : i32
    %c0_i32_0 = arith.constant 0 : i32
    return %arg0, %c0_i32 : i32, i32
  }
  func.func @transform_4(%arg0: i32) -> (i32, i32, i32) {
    %c0_i32 = arith.constant 0 : i32
    %c0_i32_0 = arith.constant 0 : i32
    %c0_i32_1 = arith.constant 0 : i32
    return %c0_i32, %arg0, %c0_i32_0 : i32, i32, i32
  }
}

module attributes {stable_mosaic.version = 14 : i64} {
  func.func @_norm_body(%arg0: i32, %arg1: memref<2000x128xf32, #tpu.memory_space<vmem>>, %arg2: memref<2000x128xf32, #tpu.memory_space<vmem>>, %arg3: memref<2000x128xf32, #tpu.memory_space<vmem>>) attributes {dimension_semantics = [#tpu.dimension_semantics<arbitrary>], iteration_bounds = array<i64: 5>, scalar_prefetch = 0 : i64, scratch_operands = 0 : i64, tpu.core_type = #tpu.core_type<tc>, window_params = [{transform_indices = @transform_0, window_bounds = array<i64: 2000, 128>}, {transform_indices = @transform_1, window_bounds = array<i64: 2000, 128>}, {transform_indices = @transform_2, window_bounds = array<i64: 2000, 128>}]} {
    %get3A = arith.constant 0 : index
    %get3A_0 = arith.constant 0 : index
    %get3A_1 = vector.load %arg2[%get3A, %get3A_0] : memref<2000x128xf32, #tpu.memory_space<vmem>>, vector<2000x128xf32>
    %gt3A = arith.constant 0.000000e+00 : f32
    %gt3A_2 = vector.broadcast %gt3A : f32 to vector<2000x128xf32>
    %gt3A_3 = arith.cmpf ogt, %get3A_1, %gt3A_2 : vector<2000x128xf32>
    %get3A_4 = arith.constant 0 : index
    %get3A_5 = arith.constant 0 : index
    %get3A_6 = vector.load %arg1[%get3A_4, %get3A_5] : memref<2000x128xf32, #tpu.memory_space<vmem>>, vector<2000x128xf32>
    %div3A = arith.divf %get3A_6, %get3A_1 : vector<2000x128xf32>
    %jit3A = arith.constant 0.000000e+00 : f32
    %broadcast_in_dim3A = vector.broadcast %jit3A : f32 to vector<2000x128xf32>
    %select_n3A = arith.select %gt3A_3, %div3A, %broadcast_in_dim3A : vector<2000x128xi1>, vector<2000x128xf32>
    %swap3A = arith.constant 0 : index
    %swap3A_7 = arith.constant 0 : index
    %swap3A_8 = vector.load %arg3[%swap3A, %swap3A_7] : memref<2000x128xf32, #tpu.memory_space<vmem>>, vector<2000x128xf32>
    tpu.vector_store %arg3[%swap3A, %swap3A_7], %select_n3A {strides = array<i32>} : memref<2000x128xf32, #tpu.memory_space<vmem>>, vector<2000x128xf32>,
    return
  }
  func.func @transform_0(%arg0: i32) -> (i32, i32) {
    %c0_i32 = arith.constant 0 : i32
    %c0_i32_0 = arith.constant 0 : i32
    return %arg0, %c0_i32 : i32, i32
  }
  func.func @transform_1(%arg0: i32) -> (i32, i32) {
    %c0_i32 = arith.constant 0 : i32
    %c0_i32_0 = arith.constant 0 : i32
    return %arg0, %c0_i32 : i32, i32
  }
  func.func @transform_2(%arg0: i32) -> (i32, i32) {
    %c0_i32 = arith.constant 0 : i32
    %c0_i32_0 = arith.constant 0 : i32
    return %arg0, %c0_i32 : i32, i32
  }
}

</mosaic_0001>

<sc_bundles>
// kernel: kernel.5.cloned.1.call-start
scs
__scs_entry_jumppad:
0x0: {  	(pc) =	sbr.rel $0x88, $3  }
0x1: {  	(tag) =	ssettag $0x0;
	lr =	simm.s32 $0x1  }
0x2: {  	[smem:$0x3F9C] =	sst lr;
	_ =	strace $0xD0000000  }
0x3: {  	_ = 	snop  }
0x4: {  	_ = 	snop  }
0x5: {  	_ = 	snop  }
0x6: {  	_ = 	snop  }
0x7: {  	_ = 	snop  }
__scs_overlays_trampoline_lowered:
0x8: {  	[smem:$0x3FAB] =	sst s0  }
0x9: {  	[smem:$0x3FAC] =	sst s1  }
0xa: {  	[smem:$0x3FAD] =	sst s2  }
0xb: {  	[smem:$0x3FAE] =	sst s3  }
0xc: {  	[smem:$0x3FAF] =	sst s4  }
0xd: {  	[smem:$0x3FB0] =	sst s5  }
0xe: {  	[smem:$0x3FB1] =	sst s6  }
0xf: {  	[smem:$0x3FB2] =	sst s7  }
0x10: {  	[smem:$0x3FB3] =	sst s8  }
0x11: {  	[smem:$0x3FB4] =	sst s9;
	s0 =	simm.s32 @!p0 $0x0  }
0x12: {  	s1 =	sld [smem:$0x3F9A];
	s0 =	simm.s32 @p0 $0x1  }
0x13: {  	[smem:$0x3FB5] =	sst s0;
	s0 =	simm.s32 @!p1 $0x0  }
0x14: {  	s2 =	sld [smem:$0x3F99];
	s0 =	simm.s32 @p1 $0x1  }
0x15: {  	[smem:$0x3FB6] =	sst s0;
	s0 =	simm.s32 @!p2 $0x0  }
0x16: {  	s3 =	sld [smem:$0x3FDB];
	s0 =	simm.s32 @p2 $0x1  }
0x17: {  	s4 =	simm.s32 $0x1BF5;
	[smem:$0x3FB8] =	sst s0  }
0x18: {  	s0 =	sld [smem:$0x3F9B];
	_ =	swait.ge [sflag:s4], $0x0  }
0x19: {  	s7 =	sld [smem:$0x3F9C]  }
0x1a: {  	s8 =	sadd.s32 $0xFFFFE003, lr  }
0x1b: {  	s9 =	sadd.s32 $0xFFFFFEF7, lr;
	s5 =	simm.s32 $0xFFFFFFFF;
	p2 =	slt.u32 s8, $0xFFFFF086  }
0x1c: {  	p1 =	slt.u32 s9, $0xF7A;
	s5 =	simm.s32 @!p2 $0x0  }
0x1d: {  	s5 =	simm.s32 @p1 $0x1;
	p0 =	seq.s32 s7, s2  }
0x1e: {  	s7 =	smul.u32 @!p0 $0xF7A, s2;
	p2 =	seq.s32 @!p0 s5, $0x0  }
0x1f: {  	s9 =	smul.u32 $0xF7A, s1;
	s8 =	simm.s32 @!p0 $0x1BF5;
	p2 =	por !p2, p0  }
0x20: {  	[sflag:s8] =	ssyncset.s32 @!p0 $0xFFFFF086;
	s6 =	sadd.s32 @!p0 s3, s7;
	s7 =	simm.s32 @!p0 $0x108  }
0x21: {  	s3 =	sadd.s32 s3, s9;
	s6 =	sadd.s32 @!p0 $0x88, s6;
	s7 =	simm.s32 @p2 $0x1082  }
0x22: {  	[simem:s7], [sflag:s8] =	dma.local @!p0 [hbm:s6], $0xF7A  }
0x23: {  	s9 =	sor.u32 $0xD0000000, s2;
	s6 =	simm.s32 $0x108;
	_ =	swait.ge @!p0 [sflag:s8], $0x0  }
0x24: {  	s3 =	sadd.s32 $0x88, s3;
	s6 =	simm.s32 @!p1 $0x1082;
	[sflag:s4] =	ssyncset.s32 $0xFFFFF086  }
0x25: {  	[simem:s6], [sflag:s4] =	dma.local [hbm:s3], $0xF7A  }
0x26: {  	[smem:$0x3F9C] =	sst s1;
	(tag) =	ssettag s2;
	_ =	strace s9  }
0x27: {  	s1 =	sld [smem:$0x3FAC]  }
0x28: {  	s2 =	sld [smem:$0x3FAD]  }
0x29: {  	s4 =	sld [smem:$0x3FAF]  }
0x2a: {  	p0 =	seq.s32 s5, $0x0;
	s5 =	sld [smem:$0x3FB0]  }
0x2b: {  	s6 =	sld [smem:$0x3FB1]  }
0x2c: {  	s7 =	sld [smem:$0x3FB2]  }
0x2d: {  	s3 =	simm.s32 $0x108;
	s8 =	sld [smem:$0x3FB3]  }
0x2e: {  	s3 =	simm.s32 @!p0 $0x1082;
	s9 =	sld [smem:$0x3FB4]  }
0x2f: {  	lr =	sadd.s32 s0, s3;
	s0 =	sld [smem:$0x3FAB]  }
0x30: {  	s3 =	sld [smem:$0x3FAE]  }
0x31: {  	[smem:$0x3FB7] =	sst s10  }
0x32: {  	s10 =	sld [smem:$0x3FB5];
	_ =	sdelay $0x3  }
0x33: {  	p0 =	seq.s32 s10, $0x1;
	s10 =	sld [smem:$0x3FB7];
	_ =	sdelay $0x3  }
0x34: {  	[smem:$0x3FB7] =	sst s10  }
0x35: {  	s10 =	sld [smem:$0x3FB6];
	_ =	sdelay $0x3  }
0x36: {  	p1 =	seq.s32 s10, $0x1;
	s10 =	sld [smem:$0x3FB7];
	_ =	sdelay $0x3  }
0x37: {  	[smem:$0x3FB7] =	sst s10  }
0x38: {  	s10 =	sld [smem:$0x3FB8]  }
0x39: {  	_ = 	snop;
	(pc) =	sbr.ind lr, $3  }
0x3a: {  	_ = 	snop  }
0x3b: {  	_ = 	snop  }
0x3c: {  	p2 =	seq.s32 s10, $0x1;
	s10 =	sld [smem:$0x3FB7]  }
0x3d: {  	_ =	shalt  }
0x3e: {  	_ =	shalt  }
0x3f: {  	_ =	shalt  }
0x40: {  	_ =	shalt  }
0x41: {  	_ =	shalt  }
0x42: {  	_ =	shalt  }
0x43: {  	_ =	shalt  }
0x44: {  	_ =	shalt  }
0x45: {  	_ =	shalt  }
0x46: {  	_ =	shalt  }
0x47: {  	_ =	shalt  }
0x48: {  	_ =	shalt  }
0x49: {  	_ =	shalt  }
0x4a: {  	_ =	shalt  }
0x4b: {  	_ =	shalt  }
0x4c: {  	_ =	shalt  }
0x4d: {  	_ =	shalt  }
0x4e: {  	_ =	shalt  }
0x4f: {  	_ =	shalt  }
0x50: {  	_ =	shalt  }
0x51: {  	_ =	shalt  }
0x52: {  	_ =	shalt  }
0x53: {  	_ =	shalt  }
0x54: {  	_ =	shalt  }
0x55: {  	_ =	shalt  }
0x56: {  	_ =	shalt  }
0x57: {  	_ =	shalt  }
0x58: {  	_ =	shalt  }
0x59: {  	_ =	shalt  }
0x5a: {  	_ =	shalt  }
0x5b: {  	_ =	shalt  }
0x5c: {  	_ =	shalt  }
0x5d: {  	_ =	shalt  }
0x5e: {  	_ =	shalt  }
0x5f: {  	_ =	shalt  }
0x60: {  	_ =	shalt  }
0x61: {  	_ =	shalt  }
0x62: {  	_ =	shalt  }
0x63: {  	_ =	shalt  }
0x64: {  	_ =	shalt  }
0x65: {  	_ =	shalt  }
0x66: {  	_ =	shalt  }
0x67: {  	_ =	shalt  }
0x68: {  	_ =	shalt  }
0x69: {  	_ =	shalt  }
0x6a: {  	_ =	shalt  }
0x6b: {  	_ =	shalt  }
0x6c: {  	_ =	shalt  }
0x6d: {  	_ =	shalt  }
0x6e: {  	_ =	shalt  }
0x6f: {  	_ =	shalt  }
0x70: {  	_ =	shalt  }
0x71: {  	_ =	shalt  }
0x72: {  	_ =	shalt  }
0x73: {  	_ =	shalt  }
0x74: {  	_ =	shalt  }
0x75: {  	_ =	shalt  }
0x76: {  	_ =	shalt  }
0x77: {  	_ =	shalt  }
0x78: {  	_ =	shalt  }
0x79: {  	_ =	shalt  }
0x7a: {  	_ =	shalt  }
0x7b: {  	_ =	shalt  }
0x7c: {  	_ =	shalt  }
0x7d: {  	_ =	shalt  }
0x7e: {  	_ =	shalt  }
0x7f: {  	_ =	shalt  }
0x80: {  	_ =	shalt  }
0x81: {  	_ =	shalt  }
0x82: {  	_ =	shalt  }
0x83: {  	_ =	shalt  }
0x84: {  	_ =	shalt  }
0x85: {  	_ =	shalt  }
0x86: {  	_ =	shalt  }
0x87: {  	_ =	shalt  }
.Lfunc_end0:
.L_simem_size_0:
called_computation_lowered:
.L_overlay_start_0:
0x88: {  	s2 =	sld [smem:$0x3FD9]  }
0x89: {  	s3 =	sld [smem:$0x3FFE];
	_ =	sdelay $0x1  }
0x8a: {  	s1 =	srdreg.scid  }
0x8b: {  	s0 =	sand.u32 $0x1, s1  }
0x8c: {  	s17 =	sshll.u32 s0, $0xA;
	s2 =	sadd.s32 s3, s2  }
0x8d: {  	s2 =	sadd.s32 s2, s17  }
0x8e: {  	[smem:$0x3FC3] =	sst s2  }
0x8f: {  	_ = 	snop  }
0x90: {  	s2 =	sld [smem:$0x3FD0];
	(tm) =	ssettm $0x1  }
0x91: {  	s18 =	sld [smem:$0x3FFB];
	_ =	sdelay $0x3  }
0x92: {  	_ =	strace s18  }
0x93: {  	s3 =	sld [smem:$0x3FFC];
	_ =	sdelay $0x3  }
0x94: {  	_ =	strace s3  }
0x95: {  	s3 =	sld [smem:$0x3FFD];
	_ =	sdelay $0x3  }
0x96: {  	_ =	strace s3  }
0x97: {  	_ =	strace $0x8FFFFFFF  }
0x98: {  	s19 =	sld [smem:$0x3FDB];
	_ =	sdelay $0x1  }
0x99: {  	s4 =	simm.s32 $_scs_section_size  }
0x9a: {  	s5 =	simm.s32 $_size__tile_overlayer_lowered;
	s6 =	simm.s32 $_tile_overlayer_lowered  }
0x9b: {  	s22 =	simm.s32 $0x1BFF;
	s21 =	sshll.u32 s6, $0x1;
	s3 =	sadd.s32 s4, s19  }
0x9c: {  	s7 =	simm.s32 $0x0;
	s20 =	sshll.u32 s5, $0x1;
	s5 =	sadd.s32 s21, s3  }
0x9d: {  	[timem:s7], [sflag:s22] =	dma.local [hbm:s5], s20  }
0x9e: {  	_ =	swait.ge [sflag:s22], s20  }
0x9f: {  	s4 =	ssub.s32 $0x0, s20;
	[sflag:s22] =	ssyncset.done $0x0  }
0xa0: {  	[sflag:s22] =	ssyncadd.s32 s4;
	_ =	sdelay $0x1  }
0xa1: {  	s23 =	simm.s32 $0x1B8B  }
0xa2: {  	_ =	swait.ge [sflag:s23], $0x1  }
0xa3: {  	[sflag:s23] =	ssyncset.done $0x0  }
0xa4: {  	s25 =	simm.s32 $0x1B8E;
	s24 =	sld [smem:$0x3FFE];
	[sflag:s23] =	ssyncadd.s32 $0xFFFFFFFF  }
0xa5: {  	s26 =	simm.s32 $execute0_lowered;
	[smem:$0x3FD2] =	sst s25  }
0xa6: {  	s5 =	sshll.u32 s26, $0x1;
	_ =	strace $0x80000046;
	[dreg:$0x1] =	wrdreg $0xFFFFFFFF  }
0xa7: {  	s28 =	simm.s32 $_size_execute0_lowered;
	s3 =	sadd.s32 s3, s5;
	[dreg:$0x0] =	wrdreg $0x0  }
0xa8: {  	s5 =	sshll.u32 s28, $0x1;
	[dreg:$0x2] =	wrdreg s3  }
0xa9: {  	[dreg:$0x3] =	wrdreg s5  }
0xaa: {  	[dreg:$0x4] =	wrdreg $0xC0  }
0xab: {  	_ =	task [dreg:s7], $0x5FFFF  }
0xac: {  	[dreg:$0x1] =	wrdreg $0xFFFFFFFF  }
0xad: {  	[dreg:$0x0] =	wrdreg $0x60  }
0xae: {  	[dreg:$0x2] =	wrdreg s24  }
0xaf: {  	[dreg:$0x3] =	wrdreg s2  }
0xb0: {  	[dreg:$0x4] =	wrdreg $0x40800  }
0xb1: {  	[dreg:$0x5] =	wrdreg $0x9  }
0xb2: {  	_ =	task.clear_ibuf [dreg:s7], $0x6FFFF;
	_ =	strace $0x90000046  }
0xb3: {  	s29 =	simm.s32 $0x9;
	_ =	strace $0x80000048  }
0xb4: {  	_ =	swait.ge [sflag:s29], $0x1  }
0xb5: {  	[sflag:s29] =	ssyncadd.s32 $0xFFFFFFFF  }
0xb6: {  	_ =	strace $0x90000048  }
0xb7: {  	_ =	sfence  }
0xb8: {  	s30 =	sld [smem:$0x0];
	_ =	sdelay $0x2  }
0xb9: {  	s31 =	sshll.u32 s1, $0xD;
	s1 =	sshrl.u32 s1, $0x2  }
0xba: {  	s3 =	sand.u32 $0x4000, s31;
	s1 =	sadd.s32 s1, s30  }
0xbb: {  	s0 =	sor.u32 s3, s0;
	s1 =	sshll.u32 s1, $0x11  }
0xbc: {  	s0 =	sor.u32 s1, s0  }
0xbd: {  	s0 =	sadd.s32 $0x8F2B, s0  }
0xbe: {  	[sflag:s0] =	ssyncadd.remote.s32 $0x1  }
0xbf: {  	_ =	sfence.sel $0xFFFF  }
0xc0: {  	[dreg:$0x0] =	wrdreg $0xFFFFFFFF;
	(pc) =	sbr.abs _section_cstart, $3  }
0xc1: {  	[dreg:$0x1] =	wrdreg $0xFFFFFFFF  }
0xc2: {  	_ =	task.clear_ibuf [dreg:s7], $0x2FFFF;
	_ =	strace $0x9FFFFFFF  }
0xc3: {  	(tm) =	ssettm $0x7FFFFFFF  }
tec
execute0_lowered:
.L_overlay_start_1:
0x0: {  	(tag) =	ssettag $0x1  }
0x1: {  	s4 =	rddreg [dreg:$0x0]  }
0x2: {  	s9 =	rddreg [dreg:$0x1];
	s0 =	srdreg.scid  }
0x3: {  	s2 =	rddreg [dreg:$0x2];
	s1 =	stileid.u32  }
0x4: {  	s3 =	simm.s32 $0x0;
	s5 =	sand.u32 $0x1, s0;
	s25 =	smul.u32 $0x14000, s1  }
0x5: {  	s0 =	rddreg [dreg:$0x3];
	s7 =	sshll.u32 s1, $0xE;
	s28 =	smul.u32 $0x50000, s1  }
0x6: {  	[smem:$0x7FF] =	sst s3;
	s30 =	sshll.u32 s1, $0x6;
	s6 =	smul.u32 $0x2710000, s5  }
0x7: {  	s31 =	sshll.u32 s1, $0x4;
	s8 =	smul.u32 $0x140000, s5;
	_ =	strace $0x80000047  }
0x8: {  	s5 =	ssub.s32 $0x2, s5;
	s9 =	sadd.s32 s31, s9;
	s26 =	sshrl.u32 s25, $0x3  }
0x9: {  	s29 =	sshrl.u32 s5, $0x1;
	s6 =	sadd.s32 s7, s6;
	s7 =	sadd.s32 s25, s8  }
0xa: {  	s8 =	sshrl.u32 s28, $0x2;
	s11 =	ssub.s32 s5, s29;
	s5 =	sor.u32 $0x1C01, s30  }
0xb: {  	s6 =	sshrl.u32 s6, $0x3;
	s7 =	sshrl.u32 s7, $0x3;
	s12 =	sadd.s32 s8, s2  }
0xc: {  	s10 =	sadd.s32 s6, s4;
	s6 =	sadd.s32 s26, s4;
	s7 =	sadd.s32 s7, s4  }
0xd: {  	s4 =	sadd.s32 $0x400, s6;
	s6 =	sadd.s32 $0x28400, s7;
	s7 =	smax.u32 s11, $0x1  }
0xe: {  	s8 =	sadd.s32 $0x4E2400, s10;
	s10 =	sshrl.u32 s12, $0x3;
	s11 =	simm.s32 $0x1  }
.LBB2_1:
0xf: {  	[spmem:s10], [sflag:s5] =	dma.local [hbm:s4], $0x2800  }
0x10: {  	_ =	swait.ge [sflag:s11], $0x2800  }
0x11: {  	s12 =	sadd.s32 $0x0, s1;
	[sflag:s11] =	ssyncset.done $0x0  }
0x12: {  	p0 =	sgt.u32 s12, $0x9C3;
	[sflag:s11] =	ssyncadd.s32 $0xFFFFD800  }
0x13: {  	s12 =	simm.s32 @!p0 $0x0;
	s14 =	simm.s32 @!p0 $0x2;
	[bflag:$0x0] =	sbarrier.arrive $0xFFFF  }
0x14: {  	[tilespmem:s12], [sflag:$0x2] =	stream.linear.gather @!p0 [hbm4b:s8+s12], $0x4000, $0x38;
	[tilespmem:$0x18080] =	vst v63  }
0x15: {  	_ =	swait.ge @!p0 [sflag:s14], $0x4000  }
0x16: {  	[sflag:s14] =	ssyncset.done @!p0 $0x0;
	p0 =	por p0, p0  }
0x17: {  	[sflag:s14] =	ssyncadd.s32 @!p0 $0xFFFFC000;
	s16 =	simm.s32 @!p0 $0x4000  }
0x18: {  	[tilespmem:s16], [sflag:$0x2] =	stream.linear.gather @!p0 [hbm4b:s9+s12], $0x80, $0x38;
	[tilespmem:$0x18080] =	vst v63  }
0x19: {  	_ =	swait.ge @!p0 [sflag:s14], $0x80  }
0x1a: {  	s31 =	sadd.s32 $0x10, s1;
	[sflag:s14] =	ssyncset.done @!p0 $0x0  }
0x1b: {  	s15 =	simm.s32 @!p0 $0x1;
	[sflag:s14] =	ssyncadd.s32 @!p0 $0xFFFFFF80;
	s14 =	simm.s32 @!p0 $0x80  }
0x1c: {  	[spmem:s2] =	stream.indirect.scatter.add.f32 @!p0 [tilespmem:s12], [sflag:$0x1], $0x80, s16, s14, $0xb8;
	[tilespmem:$0x18080] =	vst v63  }
0x1d: {  	s13 =	simm.s32 $0x20;
	p1 =	sgt.u32 s31, $0x9C3;
	_ =	swait.ge @!p0 [sflag:s15], $0x4000  }
0x1e: {  	s12 =	sadd.s32 $0x100, s9;
	s14 =	sadd.s32 $0x8000, s8;
	[sflag:s15] =	ssyncset.done @!p0 $0x0  }
.LBB2_2:
0x1f: {  	s16 =	simm.s32 @!p1 $0x0;
	s17 =	simm.s32 @!p1 $0x2;
	[sflag:s15] =	ssyncadd.s32 @!p0 $0xFFFFC000  }
0x20: {  	[tilespmem:s16], [sflag:$0x2] =	stream.linear.gather @!p1 [hbm4b:s14+s16], $0x4000, $0x38;
	[tilespmem:$0x18080] =	vst v63  }
0x21: {  	s18 =	smov.u32 s13;
	s13 =	sadd.s32 $0x10, s13;
	_ =	swait.ge @!p1 [sflag:s17], $0x4000  }
0x22: {  	p0 =	por p1, p1;
	p2 =	sne.s32 s13, $0x9D0;
	[sflag:s17] =	ssyncset.done @!p1 $0x0  }
0x23: {  	s19 =	simm.s32 @!p0 $0x4000;
	[sflag:s17] =	ssyncadd.s32 @!p0 $0xFFFFC000  }
0x24: {  	[tilespmem:s19], [sflag:$0x2] =	stream.linear.gather @!p0 [hbm4b:s12+s16], $0x80, $0x38;
	[tilespmem:$0x18080] =	vst v63  }
0x25: {  	_ =	swait.ge @!p0 [sflag:s17], $0x80  }
.Ltmp0:
0x26: {  	[sflag:s17] =	ssyncset.done @!p0 $0x0;
	(pc) =	sbr.rel @p2 .LBB2_2-.Ltmp0, $4  }
0x27: {  	s15 =	simm.s32 @!p0 $0x1;
	[sflag:s17] =	ssyncadd.s32 @!p0 $0xFFFFFF80;
	s17 =	simm.s32 @!p0 $0x80  }
0x28: {  	[spmem:s2] =	stream.indirect.scatter.add.f32 @!p0 [tilespmem:s16], [sflag:$0x1], $0x80, s19, s17, $0xb8;
	[tilespmem:$0x18080] =	vst v63  }
0x29: {  	s12 =	sadd.s32 $0x100, s12;
	s16 =	sadd.s32 s18, s1;
	_ =	swait.ge @!p0 [sflag:s15], $0x4000  }
0x2a: {  	s14 =	sadd.s32 $0x8000, s14;
	p1 =	sgt.u32 s16, $0x9C3;
	[sflag:s15] =	ssyncset.done @!p0 $0x0  }
0x2b: {  	s13 =	simm.s32 @!p1 $0x0;
	s16 =	simm.s32 @!p1 $0x2;
	[sflag:s15] =	ssyncadd.s32 @!p0 $0xFFFFC000  }
0x2c: {  	[tilespmem:s13], [sflag:$0x2] =	stream.linear.gather @!p1 [hbm4b:s14+s13], $0x4000, $0x38;
	[tilespmem:$0x18080] =	vst v63  }
0x2d: {  	_ =	swait.ge @!p1 [sflag:s16], $0x4000  }
0x2e: {  	p0 =	por p1, p1;
	[sflag:s16] =	ssyncset.done @!p1 $0x0  }
0x2f: {  	s14 =	simm.s32 @!p0 $0x4000;
	[sflag:s16] =	ssyncadd.s32 @!p0 $0xFFFFC000  }
0x30: {  	[tilespmem:s14], [sflag:$0x2] =	stream.linear.gather @!p0 [hbm4b:s12+s13], $0x80, $0x38;
	[tilespmem:$0x18080] =	vst v63  }
0x31: {  	_ =	swait.ge @!p0 [sflag:s16], $0x80  }
0x32: {  	[sflag:s16] =	ssyncset.done @!p0 $0x0  }
0x33: {  	s15 =	simm.s32 @!p0 $0x1;
	s12 =	simm.s32 @!p0 $0x80;
	[sflag:s16] =	ssyncadd.s32 @!p0 $0xFFFFFF80  }
0x34: {  	[spmem:s2] =	stream.indirect.scatter.add.f32 @!p0 [tilespmem:s13], [sflag:$0x1], $0x80, s14, s12, $0xb8;
	[tilespmem:$0x18080] =	vst v63  }
0x35: {  	_ =	swait.ge @!p0 [sflag:s15], $0x4000  }
0x36: {  	s3 =	sadd.s32 $0x1, s3;
	[sflag:s15] =	ssyncset.done @!p0 $0x0  }
0x37: {  	[sflag:s15] =	ssyncadd.s32 @!p0 $0xFFFFC000;
	p0 =	sne.s32 s3, s7  }
.Ltmp1:
0x38: {  	[bflag:$0x0] =	sbarrier.arrive $0xFFFF;
	(pc) =	sbr.rel @p0 .LBB2_1-.Ltmp1, $4  }
0x39: {  	[hbm:s6], [sflag:s5] =	dma.local [spmem:s10], $0x2800  }
0x3a: {  	_ =	swait.ge [sflag:s11], $0x2800  }
0x3b: {  	[sflag:s11] =	ssyncset.done $0x0  }
0x3c: {  	[sflag:s11] =	ssyncadd.s32 $0xFFFFD800  }
0x3d: {  	_ =	sfence.sel $0x180000  }
0x3e: {  	[bflag:$0x0] =	sbarrier.arrive $0xFFFF  }
0x3f: {  	p0 =	sne.s32 s1, $0x0;
	_ =	strace $0x90000047  }
0x40: {  	s0 =	sadd.s32 @!p0 $0x100000, s0;
	[bflag:$0x2] =	sbarrier.arrive $0xFFFF  }
0x41: {  	[sflag:s0] =	ssyncadd.tile.s32 @!p0 $0x1;
	_ =	shalt  }
.Lfunc_end2:
_tile_overlayer_lowered:
.L_overlay_start_2:
0x42: {  	(tag) =	ssettag $0x2  }
0x43: {  	s0 =	rddreg [dreg:$0x0];
	s2 =	stileid.u32  }
0x44: {  	s1 =	rddreg [dreg:$0x1];
	p0 =	sne.s32 s2, $0x0  }
0x45: {  	s3 =	rddreg [dreg:$0x2];
	[bflag:$0x3] =	sbarrier.arrive $0xFFFF;
	s2 =	simm.s32 @!p0 $0x1C01  }
0x46: {  	[timem:s3], [sflag:s2] =	dma.local @!p0 [hbm:s0], s1  }
0x47: {  	s0 =	simm.s32 @!p0 $0x1  }
0x48: {  	_ =	swait.ge @!p0 [sflag:s0], s1  }
0x49: {  	s1 =	ssub.s32 @!p0 $0x0, s1;
	[sflag:s0] =	ssyncset.done @!p0 $0x0  }
0x4a: {  	[sflag:s0] =	ssyncadd.s32 @!p0 s1  }
0x4b: {  	[bflag:$0x3] =	sbarrier.arrive $0xFFFF  }
0x4c: {  	_ =	shalt  }

</sc_bundles>
